<compile_context>
chip_gen: v7x
topology: tpu7x:2x2x1
jax: 0.10.2.dev20260603
libtpu: 0.0.44.dev20260713+nightly
codegen_flags: <defaults>
</compile_context>

<pallas_src>
import functools

import jax
import jax.numpy as jnp
from jax import lax
from jax.experimental import pallas as pl
from jax.experimental.pallas import tpu as pltpu
from jax.experimental.pallas import tpu_sc as plsc

NUM_VIRTUAL_TOKENS = 50
TOKEN_DIM = 1024
EMB_DIM = 24 * 2 * TOKEN_DIM
BATCH = 32


def _body(prefix_hbm, emb_hbm, out_hbm, idx_v, buf0, buf1, gsem0, gsem1,
          ssem0, ssem1):
  c = lax.axis_index("c")
  s = lax.axis_index("s")
  w = s * 2 + c

  pltpu.sync_copy(prefix_hbm.at[pl.ds(w, 1)], idx_v)

  def g_start(i, buf, gsem):
    pltpu.async_copy(emb_hbm.at[idx_v.at[0, pl.ds(i, 1)]], buf, gsem)

  def g_wait(buf, gsem):
    pltpu.make_async_copy(emb_hbm.at[idx_v.at[0, pl.ds(0, 1)]], buf,
                          gsem).wait()

  def s_start(i, buf, ssem):
    pltpu.async_copy(buf, out_hbm.at[pl.ds(i, 1), w], ssem)

  def s_wait(i, buf, ssem):
    pltpu.make_async_copy(buf, out_hbm.at[pl.ds(i, 1), w], ssem).wait()

  bufs = (buf0, buf1)
  gsems = (gsem0, gsem1)
  ssems = (ssem0, ssem1)

  g_start(0, buf0, gsem0)
  g_start(1, buf1, gsem1)

  def j_body(j, carry):
    for b in range(2):
      i = 2 * j + b
      g_wait(bufs[b], gsems[b])
      s_start(i, bufs[b], ssems[b])
      s_wait(i, bufs[b], ssems[b])

      @pl.when(i + 2 < NUM_VIRTUAL_TOKENS)
      def _():
        g_start(i + 2, bufs[b], gsems[b])

    return carry

  lax.fori_loop(0, NUM_VIRTUAL_TOKENS // 2, j_body, 0)


@jax.jit
def kernel(prefix, embedding):
  mesh = plsc.VectorSubcoreMesh(core_axis_name="c", subcore_axis_name="s")
  k = functools.partial(
      pl.kernel,
      out_type=jax.ShapeDtypeStruct((NUM_VIRTUAL_TOKENS, BATCH, EMB_DIM),
                                    jnp.float32),
      mesh=mesh,
      compiler_params=pltpu.CompilerParams(use_tc_tiling_on_sc=True),
      scratch_types=[
          pltpu.VMEM((1, NUM_VIRTUAL_TOKENS), jnp.int32),
          pltpu.VMEM((1, EMB_DIM), jnp.float32),
          pltpu.VMEM((1, EMB_DIM), jnp.float32),
          pltpu.SemaphoreType.DMA,
          pltpu.SemaphoreType.DMA,
          pltpu.SemaphoreType.DMA,
          pltpu.SemaphoreType.DMA,
      ],
  )(_body)
  out = k(prefix, embedding)
  return out.transpose(1, 0, 2)

# --- scband reference (transcript-rebuilt; emitter-appended) ---
"""Pipeline reference for scband-prefix-encoder-5557687681457 (READ-ONLY COPY).

The authoritative reference and input builder live on the scoring server;
editing this copy changes nothing except your own understanding.
"""

import jax, jax.numpy as jnp
import numpy as np

NUM_VIRTUAL_TOKENS = 50
TOKEN_DIM = 1024
NUM_LAYERS = 24
EMB_DIM = NUM_LAYERS * 2 * TOKEN_DIM  # 49152
BATCH = 32


def setup_inputs(seed: int = 0) -> dict:
    key = jax.random.key(seed)
    k1, k2 = jax.random.split(key)
    prefix = jax.random.randint(k1, (BATCH, NUM_VIRTUAL_TOKENS), 0, NUM_VIRTUAL_TOKENS, dtype=jnp.int32)
    embedding = jax.random.normal(k2, (NUM_VIRTUAL_TOKENS, EMB_DIM), dtype=jnp.float32)
    return {"prefix": prefix, "embedding": embedding}


def reference(prefix, embedding):
    # prefix_projection=False path: past_key_values = self.embedding(prefix)
    past_key_values = jnp.take(embedding, prefix, axis=0)
    return past_key_values

if __name__ == "__main__":
    import jax
    _d = setup_inputs()
    print(jax.jit(kernel)(*tuple(_d.values())))

</pallas_src>

<mosaic_0001>
#map = affine_map<(d0, d1) -> (0, 0)>
#map1 = affine_map<(d0, d1) -> (0, 0, 0)>
module attributes {stable_mosaic.version = 14 : i64} {
  func.func @_body(%arg0: i32, %arg1: i32, %arg2: memref<32x50xi32, #tpu.memory_space<hbm>>, %arg3: memref<50x49152xf32, #tpu.memory_space<hbm>>, %arg4: memref<50x32x49152xf32, #tpu.memory_space<hbm>>, %arg5: memref<1x50xi32, #tpu.memory_space<vmem>>, %arg6: memref<1x49152xf32, #tpu.memory_space<vmem>>, %arg7: memref<1x49152xf32, #tpu.memory_space<vmem>>, %arg8: memref<!tpu.dma_semaphore, #tpu.memory_space<semaphore_mem>>, %arg9: memref<!tpu.dma_semaphore, #tpu.memory_space<semaphore_mem>>, %arg10: memref<!tpu.dma_semaphore, #tpu.memory_space<semaphore_mem>>, %arg11: memref<!tpu.dma_semaphore, #tpu.memory_space<semaphore_mem>>) attributes {dimension_semantics = [#tpu.dimension_semantics<core_parallel>, #tpu.dimension_semantics<subcore_parallel>], iteration_bounds = array<i64: 2, 16>, scalar_prefetch = 0 : i64, scratch_operands = 7 : i64, tpu.core_type = #tpu.core_type<sc_vector_subcore>, window_params = [{transform_indices = #map}, {transform_indices = #map}, {transform_indices = #map1}]} {
    %mul3A = arith.constant 2 : i32
    %mul3A_0 = arith.muli %arg1, %mul3A : i32
    %add3A = arith.addi %mul3A_0, %arg0 : i32
    "tpu.region"() ({
      %run_scoped3A = tpu.sem_alloc : memref<!tpu.dma_semaphore, #tpu.memory_space<semaphore_mem>>
      %dma_start3A_19 = arith.constant 0 : i32
      %dma_start3A_20 = tpu.memref_slice %arg2[%add3A, %dma_start3A_19] : memref<32x50xi32, #tpu.memory_space<hbm>> -> memref<1x50xi32, #tpu.memory_space<hbm>>
      %dma_start3A_21 = arith.constant 0 : i32
      %dma_start3A_22 = tpu.memref_slice %arg2[%add3A, %dma_start3A_21] : memref<32x50xi32, #tpu.memory_space<hbm>> -> memref<1x50xi32, #tpu.memory_space<hbm>>
      tpu.enqueue_dma source(%dma_start3A_22 : memref<1x50xi32, #tpu.memory_space<hbm>>) target(%arg5 : memref<1x50xi32, #tpu.memory_space<vmem>>) target_semaphore(%run_scoped3A : memref<!tpu.dma_semaphore, #tpu.memory_space<semaphore_mem>>)
      %dma_wait3A = arith.constant 0 : i32
      %dma_wait3A_23 = tpu.memref_slice %arg2[%add3A, %dma_wait3A] : memref<32x50xi32, #tpu.memory_space<hbm>> -> memref<1x50xi32, #tpu.memory_space<hbm>>
      %dma_wait3A_24 = arith.constant 0 : i32
      %dma_wait3A_25 = tpu.memref_slice %arg2[%add3A, %dma_wait3A_24] : memref<32x50xi32, #tpu.memory_space<hbm>> -> memref<1x50xi32, #tpu.memory_space<hbm>>
      tpu.wait_dma2 semaphore(%run_scoped3A : memref<!tpu.dma_semaphore, #tpu.memory_space<semaphore_mem>>) src(%dma_wait3A_25 : memref<1x50xi32, #tpu.memory_space<hbm>>) dst(%arg5 : memref<1x50xi32, #tpu.memory_space<vmem>>)
      tpu.yield
    }) : () -> ()
    %dma_start3A = arith.constant 0 : i32
    %dma_start3A_1 = arith.constant 0 : i32
    %dma_start3A_2 = tpu.memref_slice %arg5[%dma_start3A, %dma_start3A_1] : memref<1x50xi32, #tpu.memory_space<vmem>> -> memref<1x1xi32, #tpu.memory_space<vmem>>
    %dma_start3A_3 = tpu.memref_squeeze %dma_start3A_2 : memref<1x1xi32, #tpu.memory_space<vmem>> -> memref<1xi32, #tpu.memory_space<vmem>>
    %dma_start3A_4 = arith.constant 0 : i32
    %dma_start3A_5 = arith.constant 0 : i32
    %dma_start3A_6 = tpu.memref_slice %arg3[%dma_start3A_4, %dma_start3A_5] : memref<50x49152xf32, #tpu.memory_space<hbm>> -> memref<50x49152xf32, #tpu.memory_space<hbm>>
    tpu.enqueue_indirect_dma source(%dma_start3A_6 : memref<50x49152xf32, #tpu.memory_space<hbm>>) target(%arg6 : memref<1x49152xf32, #tpu.memory_space<vmem>>) offsets(%dma_start3A_3 : memref<1xi32, #tpu.memory_space<vmem>>) semaphore(%arg8 : memref<!tpu.dma_semaphore, #tpu.memory_space<semaphore_mem>>)
    %dma_start3A_7 = arith.constant 0 : i32
    %dma_start3A_8 = arith.constant 1 : i32
    %dma_start3A_9 = tpu.memref_slice %arg5[%dma_start3A_7, %dma_start3A_8] : memref<1x50xi32, #tpu.memory_space<vmem>> -> memref<1x1xi32, #tpu.memory_space<vmem>>
    %dma_start3A_10 = tpu.memref_squeeze %dma_start3A_9 : memref<1x1xi32, #tpu.memory_space<vmem>> -> memref<1xi32, #tpu.memory_space<vmem>>
    %dma_start3A_11 = arith.constant 0 : i32
    %dma_start3A_12 = arith.constant 0 : i32
    %dma_start3A_13 = tpu.memref_slice %arg3[%dma_start3A_11, %dma_start3A_12] : memref<50x49152xf32, #tpu.memory_space<hbm>> -> memref<50x49152xf32, #tpu.memory_space<hbm>>
    tpu.enqueue_indirect_dma source(%dma_start3A_13 : memref<50x49152xf32, #tpu.memory_space<hbm>>) target(%arg7 : memref<1x49152xf32, #tpu.memory_space<vmem>>) offsets(%dma_start3A_10 : memref<1xi32, #tpu.memory_space<vmem>>) semaphore(%arg9 : memref<!tpu.dma_semaphore, #tpu.memory_space<semaphore_mem>>)
    %scan3A = arith.constant 0 : i32
    %scan3A_14 = arith.constant 0 : i32
    %scan3A_15 = arith.constant 25 : i32
    %scan3A_16 = arith.addi %scan3A_14, %scan3A_15 : i32
    %scan3A_17 = arith.constant 1 : i32
    scf.for %scan3A_19 = %scan3A_14 to %scan3A_16 step %scan3A_17  : i32 {
      %mul3A_20 = arith.constant 2 : i32
      %mul3A_21 = arith.muli %mul3A_20, %scan3A_19 : i32
      %add3A_22 = arith.constant 0 : i32
      %add3A_23 = arith.addi %mul3A_21, %add3A_22 : i32
      %dma_wait3A = arith.constant 0 : i32
      %dma_wait3A_24 = arith.constant 0 : i32
      %dma_wait3A_25 = tpu.memref_slice %arg5[%dma_wait3A, %dma_wait3A_24] : memref<1x50xi32, #tpu.memory_space<vmem>> -> memref<1x1xi32, #tpu.memory_space<vmem>>
      %dma_wait3A_26 = tpu.memref_squeeze %dma_wait3A_25 : memref<1x1xi32, #tpu.memory_space<vmem>> -> memref<1xi32, #tpu.memory_space<vmem>>
      %dma_wait3A_27 = arith.constant 0 : i32
      %dma_wait3A_28 = arith.constant 0 : i32
      %dma_wait3A_29 = tpu.memref_slice %arg3[%dma_wait3A_27, %dma_wait3A_28] : memref<50x49152xf32, #tpu.memory_space<hbm>> -> memref<50x49152xf32, #tpu.memory_space<hbm>>
      tpu.wait_indirect_dma semaphore(%arg8 : memref<!tpu.dma_semaphore, #tpu.memory_space<semaphore_mem>>) src(%dma_wait3A_29 : memref<50x49152xf32, #tpu.memory_space<hbm>>) dst(%arg6 : memref<1x49152xf32, #tpu.memory_space<vmem>>)
      %dma_start3A_30 = arith.constant 0 : i32
      %dma_start3A_31 = tpu.memref_slice %arg4[%add3A_23, %add3A, %dma_start3A_30] : memref<50x32x49152xf32, #tpu.memory_space<hbm>> -> memref<1x1x49152xf32, #tpu.memory_space<hbm>>
      %dma_start3A_32 = tpu.memref_squeeze %dma_start3A_31 : memref<1x1x49152xf32, #tpu.memory_space<hbm>> -> memref<1x49152xf32, #tpu.memory_space<hbm>>
      %dma_start3A_33 = arith.constant 0 : i32
      %dma_start3A_34 = tpu.memref_slice %arg4[%add3A_23, %add3A, %dma_start3A_33] : memref<50x32x49152xf32, #tpu.memory_space<hbm>> -> memref<1x1x49152xf32, #tpu.memory_space<hbm>>
      %dma_start3A_35 = tpu.memref_squeeze %dma_start3A_34 : memref<1x1x49152xf32, #tpu.memory_space<hbm>> -> memref<1x49152xf32, #tpu.memory_space<hbm>>
      tpu.enqueue_dma source(%arg6 : memref<1x49152xf32, #tpu.memory_space<vmem>>) target(%dma_start3A_35 : memref<1x49152xf32, #tpu.memory_space<hbm>>) target_semaphore(%arg10 : memref<!tpu.dma_semaphore, #tpu.memory_space<semaphore_mem>>)
      %dma_wait3A_36 = arith.constant 0 : i32
      %dma_wait3A_37 = tpu.memref_slice %arg4[%add3A_23, %add3A, %dma_wait3A_36] : memref<50x32x49152xf32, #tpu.memory_space<hbm>> -> memref<1x1x49152xf32, #tpu.memory_space<hbm>>
      %dma_wait3A_38 = tpu.memref_squeeze %dma_wait3A_37 : memref<1x1x49152xf32, #tpu.memory_space<hbm>> -> memref<1x49152xf32, #tpu.memory_space<hbm>>
      %dma_wait3A_39 = arith.constant 0 : i32
      %dma_wait3A_40 = tpu.memref_slice %arg4[%add3A_23, %add3A, %dma_wait3A_39] : memref<50x32x49152xf32, #tpu.memory_space<hbm>> -> memref<1x1x49152xf32, #tpu.memory_space<hbm>>
      %dma_wait3A_41 = tpu.memref_squeeze %dma_wait3A_40 : memref<1x1x49152xf32, #tpu.memory_space<hbm>> -> memref<1x49152xf32, #tpu.memory_space<hbm>>
      tpu.wait_dma2 semaphore(%arg10 : memref<!tpu.dma_semaphore, #tpu.memory_space<semaphore_mem>>) src(%arg6 : memref<1x49152xf32, #tpu.memory_space<vmem>>) dst(%dma_wait3A_41 : memref<1x49152xf32, #tpu.memory_space<hbm>>)
      %add3A_42 = arith.constant 2 : i32
      %add3A_43 = arith.addi %add3A_23, %add3A_42 : i32
      %lt3A = arith.constant 50 : i32
      %lt3A_44 = arith.cmpi slt, %add3A_43, %lt3A : i32
      %convert_element_type3A = arith.extui %lt3A_44 : i1 to i32
      %cond3A = arith.constant 0 : i32
      %cond3A_45 = arith.cmpi ne, %convert_element_type3A, %cond3A : i32
      scf.if %cond3A_45 {
        %add3A_76 = arith.constant 2 : i32
        %add3A_77 = arith.addi %add3A_23, %add3A_76 : i32
        %dma_start3A_78 = arith.constant 0 : i32
        %dma_start3A_79 = tpu.memref_slice %arg5[%dma_start3A_78, %add3A_77] : memref<1x50xi32, #tpu.memory_space<vmem>> -> memref<1x1xi32, #tpu.memory_space<vmem>>
        %dma_start3A_80 = tpu.memref_squeeze %dma_start3A_79 : memref<1x1xi32, #tpu.memory_space<vmem>> -> memref<1xi32, #tpu.memory_space<vmem>>
        %dma_start3A_81 = arith.constant 0 : i32
        %dma_start3A_82 = arith.constant 0 : i32
        %dma_start3A_83 = tpu.memref_slice %arg3[%dma_start3A_81, %dma_start3A_82] : memref<50x49152xf32, #tpu.memory_space<hbm>> -> memref<50x49152xf32, #tpu.memory_space<hbm>>
        tpu.enqueue_indirect_dma source(%dma_start3A_83 : memref<50x49152xf32, #tpu.memory_space<hbm>>) target(%arg6 : memref<1x49152xf32, #tpu.memory_space<vmem>>) offsets(%dma_start3A_80 : memref<1xi32, #tpu.memory_space<vmem>>) semaphore(%arg8 : memref<!tpu.dma_semaphore, #tpu.memory_space<semaphore_mem>>)
      } else {
      }
      %mul3A_46 = arith.constant 2 : i32
      %mul3A_47 = arith.muli %mul3A_46, %scan3A_19 : i32
      %add3A_48 = arith.constant 1 : i32
      %add3A_49 = arith.addi %mul3A_47, %add3A_48 : i32
      %dma_wait3A_50 = arith.constant 0 : i32
      %dma_wait3A_51 = arith.constant 0 : i32
      %dma_wait3A_52 = tpu.memref_slice %arg5[%dma_wait3A_50, %dma_wait3A_51] : memref<1x50xi32, #tpu.memory_space<vmem>> -> memref<1x1xi32, #tpu.memory_space<vmem>>
      %dma_wait3A_53 = tpu.memref_squeeze %dma_wait3A_52 : memref<1x1xi32, #tpu.memory_space<vmem>> -> memref<1xi32, #tpu.memory_space<vmem>>
      %dma_wait3A_54 = arith.constant 0 : i32
      %dma_wait3A_55 = arith.constant 0 : i32
      %dma_wait3A_56 = tpu.memref_slice %arg3[%dma_wait3A_54, %dma_wait3A_55] : memref<50x49152xf32, #tpu.memory_space<hbm>> -> memref<50x49152xf32, #tpu.memory_space<hbm>>
      tpu.wait_indirect_dma semaphore(%arg9 : memref<!tpu.dma_semaphore, #tpu.memory_space<semaphore_mem>>) src(%dma_wait3A_56 : memref<50x49152xf32, #tpu.memory_space<hbm>>) dst(%arg7 : memref<1x49152xf32, #tpu.memory_space<vmem>>)
      %dma_start3A_57 = arith.constant 0 : i32
      %dma_start3A_58 = tpu.memref_slice %arg4[%add3A_49, %add3A, %dma_start3A_57] : memref<50x32x49152xf32, #tpu.memory_space<hbm>> -> memref<1x1x49152xf32, #tpu.memory_space<hbm>>
      %dma_start3A_59 = tpu.memref_squeeze %dma_start3A_58 : memref<1x1x49152xf32, #tpu.memory_space<hbm>> -> memref<1x49152xf32, #tpu.memory_space<hbm>>
      %dma_start3A_60 = arith.constant 0 : i32
      %dma_start3A_61 = tpu.memref_slice %arg4[%add3A_49, %add3A, %dma_start3A_60] : memref<50x32x49152xf32, #tpu.memory_space<hbm>> -> memref<1x1x49152xf32, #tpu.memory_space<hbm>>
      %dma_start3A_62 = tpu.memref_squeeze %dma_start3A_61 : memref<1x1x49152xf32, #tpu.memory_space<hbm>> -> memref<1x49152xf32, #tpu.memory_space<hbm>>
      tpu.enqueue_dma source(%arg7 : memref<1x49152xf32, #tpu.memory_space<vmem>>) target(%dma_start3A_62 : memref<1x49152xf32, #tpu.memory_space<hbm>>) target_semaphore(%arg11 : memref<!tpu.dma_semaphore, #tpu.memory_space<semaphore_mem>>)
      %dma_wait3A_63 = arith.constant 0 : i32
      %dma_wait3A_64 = tpu.memref_slice %arg4[%add3A_49, %add3A, %dma_wait3A_63] : memref<50x32x49152xf32, #tpu.memory_space<hbm>> -> memref<1x1x49152xf32, #tpu.memory_space<hbm>>
      %dma_wait3A_65 = tpu.memref_squeeze %dma_wait3A_64 : memref<1x1x49152xf32, #tpu.memory_space<hbm>> -> memref<1x49152xf32, #tpu.memory_space<hbm>>
      %dma_wait3A_66 = arith.constant 0 : i32
      %dma_wait3A_67 = tpu.memref_slice %arg4[%add3A_49, %add3A, %dma_wait3A_66] : memref<50x32x49152xf32, #tpu.memory_space<hbm>> -> memref<1x1x49152xf32, #tpu.memory_space<hbm>>
      %dma_wait3A_68 = tpu.memref_squeeze %dma_wait3A_67 : memref<1x1x49152xf32, #tpu.memory_space<hbm>> -> memref<1x49152xf32, #tpu.memory_space<hbm>>
      tpu.wait_dma2 semaphore(%arg11 : memref<!tpu.dma_semaphore, #tpu.memory_space<semaphore_mem>>) src(%arg7 : memref<1x49152xf32, #tpu.memory_space<vmem>>) dst(%dma_wait3A_68 : memref<1x49152xf32, #tpu.memory_space<hbm>>)
      %add3A_69 = arith.constant 2 : i32
      %add3A_70 = arith.addi %add3A_49, %add3A_69 : i32
      %lt3A_71 = arith.constant 50 : i32
      %lt3A_72 = arith.cmpi slt, %add3A_70, %lt3A_71 : i32
      %convert_element_type3A_73 = arith.extui %lt3A_72 : i1 to i32
      %cond3A_74 = arith.constant 0 : i32
      %cond3A_75 = arith.cmpi ne, %convert_element_type3A_73, %cond3A_74 : i32
      scf.if %cond3A_75 {
        %add3A_76 = arith.constant 2 : i32
        %add3A_77 = arith.addi %add3A_49, %add3A_76 : i32
        %dma_start3A_78 = arith.constant 0 : i32
        %dma_start3A_79 = tpu.memref_slice %arg5[%dma_start3A_78, %add3A_77] : memref<1x50xi32, #tpu.memory_space<vmem>> -> memref<1x1xi32, #tpu.memory_space<vmem>>
        %dma_start3A_80 = tpu.memref_squeeze %dma_start3A_79 : memref<1x1xi32, #tpu.memory_space<vmem>> -> memref<1xi32, #tpu.memory_space<vmem>>
        %dma_start3A_81 = arith.constant 0 : i32
        %dma_start3A_82 = arith.constant 0 : i32
        %dma_start3A_83 = tpu.memref_slice %arg3[%dma_start3A_81, %dma_start3A_82] : memref<50x49152xf32, #tpu.memory_space<hbm>> -> memref<50x49152xf32, #tpu.memory_space<hbm>>
        tpu.enqueue_indirect_dma source(%dma_start3A_83 : memref<50x49152xf32, #tpu.memory_space<hbm>>) target(%arg7 : memref<1x49152xf32, #tpu.memory_space<vmem>>) offsets(%dma_start3A_80 : memref<1xi32, #tpu.memory_space<vmem>>) semaphore(%arg9 : memref<!tpu.dma_semaphore, #tpu.memory_space<semaphore_mem>>)
      } else {
      }
    }
    %scan3A_18 = arith.constant 25 : i32
    return
  }
}

</mosaic_0001>

<sc_bundles>
// kernel: kernel.3.cloned.1.call-start
scs
__scs_entry_jumppad:
0x0: {  	(pc) =	sbr.rel $0x88, $3  }
0x1: {  	(tag) =	ssettag $0x0;
	lr =	simm.s32 $0x1  }
0x2: {  	[smem:$0x3F9F] =	sst lr;
	_ =	strace $0xD0000000  }
0x3: {  	_ = 	snop  }
0x4: {  	_ = 	snop  }
0x5: {  	_ = 	snop  }
0x6: {  	_ = 	snop  }
0x7: {  	_ = 	snop  }
__scs_overlays_trampoline_lowered:
0x8: {  	[smem:$0x3FAE] =	sst s0  }
0x9: {  	[smem:$0x3FAF] =	sst s1  }
0xa: {  	[smem:$0x3FB0] =	sst s2  }
0xb: {  	[smem:$0x3FB1] =	sst s3  }
0xc: {  	[smem:$0x3FB2] =	sst s4  }
0xd: {  	[smem:$0x3FB3] =	sst s5  }
0xe: {  	[smem:$0x3FB4] =	sst s6  }
0xf: {  	[smem:$0x3FB5] =	sst s7  }
0x10: {  	[smem:$0x3FB6] =	sst s8  }
0x11: {  	[smem:$0x3FB7] =	sst s9;
	s0 =	simm.s32 @!p0 $0x0  }
0x12: {  	s1 =	sld [smem:$0x3F9D];
	s0 =	simm.s32 @p0 $0x1  }
0x13: {  	[smem:$0x3FB8] =	sst s0;
	s0 =	simm.s32 @!p1 $0x0  }
0x14: {  	s2 =	sld [smem:$0x3F9C];
	s0 =	simm.s32 @p1 $0x1  }
0x15: {  	[smem:$0x3FB9] =	sst s0;
	s0 =	simm.s32 @!p2 $0x0  }
0x16: {  	s3 =	sld [smem:$0x3FDB];
	s0 =	simm.s32 @p2 $0x1  }
0x17: {  	s4 =	simm.s32 $0x1BF5;
	[smem:$0x3FBB] =	sst s0  }
0x18: {  	s0 =	sld [smem:$0x3F9E];
	_ =	swait.ge [sflag:s4], $0x0  }
0x19: {  	s7 =	sld [smem:$0x3F9F]  }
0x1a: {  	s8 =	sadd.s32 $0xFFFFE003, lr  }
0x1b: {  	s9 =	sadd.s32 $0xFFFFFEF7, lr;
	s5 =	simm.s32 $0xFFFFFFFF;
	p2 =	slt.u32 s8, $0xFFFFF086  }
0x1c: {  	p1 =	slt.u32 s9, $0xF7A;
	s5 =	simm.s32 @!p2 $0x0  }
0x1d: {  	s5 =	simm.s32 @p1 $0x1;
	p0 =	seq.s32 s7, s2  }
0x1e: {  	s7 =	smul.u32 @!p0 $0xF7A, s2;
	p2 =	seq.s32 @!p0 s5, $0x0  }
0x1f: {  	s9 =	smul.u32 $0xF7A, s1;
	s8 =	simm.s32 @!p0 $0x1BF5;
	p2 =	por !p2, p0  }
0x20: {  	[sflag:s8] =	ssyncset.s32 @!p0 $0xFFFFF086;
	s6 =	sadd.s32 @!p0 s3, s7;
	s7 =	simm.s32 @!p0 $0x108  }
0x21: {  	s3 =	sadd.s32 s3, s9;
	s6 =	sadd.s32 @!p0 $0x88, s6;
	s7 =	simm.s32 @p2 $0x1082  }
0x22: {  	[simem:s7], [sflag:s8] =	dma.local @!p0 [hbm:s6], $0xF7A  }
0x23: {  	s9 =	sor.u32 $0xD0000000, s2;
	s6 =	simm.s32 $0x108;
	_ =	swait.ge @!p0 [sflag:s8], $0x0  }
0x24: {  	s3 =	sadd.s32 $0x88, s3;
	s6 =	simm.s32 @!p1 $0x1082;
	[sflag:s4] =	ssyncset.s32 $0xFFFFF086  }
0x25: {  	[simem:s6], [sflag:s4] =	dma.local [hbm:s3], $0xF7A  }
0x26: {  	[smem:$0x3F9F] =	sst s1;
	(tag) =	ssettag s2;
	_ =	strace s9  }
0x27: {  	s1 =	sld [smem:$0x3FAF]  }
0x28: {  	s2 =	sld [smem:$0x3FB0]  }
0x29: {  	s4 =	sld [smem:$0x3FB2]  }
0x2a: {  	p0 =	seq.s32 s5, $0x0;
	s5 =	sld [smem:$0x3FB3]  }
0x2b: {  	s6 =	sld [smem:$0x3FB4]  }
0x2c: {  	s7 =	sld [smem:$0x3FB5]  }
0x2d: {  	s3 =	simm.s32 $0x108;
	s8 =	sld [smem:$0x3FB6]  }
0x2e: {  	s3 =	simm.s32 @!p0 $0x1082;
	s9 =	sld [smem:$0x3FB7]  }
0x2f: {  	lr =	sadd.s32 s0, s3;
	s0 =	sld [smem:$0x3FAE]  }
0x30: {  	s3 =	sld [smem:$0x3FB1]  }
0x31: {  	[smem:$0x3FBA] =	sst s10  }
0x32: {  	s10 =	sld [smem:$0x3FB8];
	_ =	sdelay $0x3  }
0x33: {  	p0 =	seq.s32 s10, $0x1;
	s10 =	sld [smem:$0x3FBA];
	_ =	sdelay $0x3  }
0x34: {  	[smem:$0x3FBA] =	sst s10  }
0x35: {  	s10 =	sld [smem:$0x3FB9];
	_ =	sdelay $0x3  }
0x36: {  	p1 =	seq.s32 s10, $0x1;
	s10 =	sld [smem:$0x3FBA];
	_ =	sdelay $0x3  }
0x37: {  	[smem:$0x3FBA] =	sst s10  }
0x38: {  	s10 =	sld [smem:$0x3FBB]  }
0x39: {  	_ = 	snop;
	(pc) =	sbr.ind lr, $3  }
0x3a: {  	_ = 	snop  }
0x3b: {  	_ = 	snop  }
0x3c: {  	p2 =	seq.s32 s10, $0x1;
	s10 =	sld [smem:$0x3FBA]  }
0x3d: {  	_ =	shalt  }
0x3e: {  	_ =	shalt  }
0x3f: {  	_ =	shalt  }
0x40: {  	_ =	shalt  }
0x41: {  	_ =	shalt  }
0x42: {  	_ =	shalt  }
0x43: {  	_ =	shalt  }
0x44: {  	_ =	shalt  }
0x45: {  	_ =	shalt  }
0x46: {  	_ =	shalt  }
0x47: {  	_ =	shalt  }
0x48: {  	_ =	shalt  }
0x49: {  	_ =	shalt  }
0x4a: {  	_ =	shalt  }
0x4b: {  	_ =	shalt  }
0x4c: {  	_ =	shalt  }
0x4d: {  	_ =	shalt  }
0x4e: {  	_ =	shalt  }
0x4f: {  	_ =	shalt  }
0x50: {  	_ =	shalt  }
0x51: {  	_ =	shalt  }
0x52: {  	_ =	shalt  }
0x53: {  	_ =	shalt  }
0x54: {  	_ =	shalt  }
0x55: {  	_ =	shalt  }
0x56: {  	_ =	shalt  }
0x57: {  	_ =	shalt  }
0x58: {  	_ =	shalt  }
0x59: {  	_ =	shalt  }
0x5a: {  	_ =	shalt  }
0x5b: {  	_ =	shalt  }
0x5c: {  	_ =	shalt  }
0x5d: {  	_ =	shalt  }
0x5e: {  	_ =	shalt  }
0x5f: {  	_ =	shalt  }
0x60: {  	_ =	shalt  }
0x61: {  	_ =	shalt  }
0x62: {  	_ =	shalt  }
0x63: {  	_ =	shalt  }
0x64: {  	_ =	shalt  }
0x65: {  	_ =	shalt  }
0x66: {  	_ =	shalt  }
0x67: {  	_ =	shalt  }
0x68: {  	_ =	shalt  }
0x69: {  	_ =	shalt  }
0x6a: {  	_ =	shalt  }
0x6b: {  	_ =	shalt  }
0x6c: {  	_ =	shalt  }
0x6d: {  	_ =	shalt  }
0x6e: {  	_ =	shalt  }
0x6f: {  	_ =	shalt  }
0x70: {  	_ =	shalt  }
0x71: {  	_ =	shalt  }
0x72: {  	_ =	shalt  }
0x73: {  	_ =	shalt  }
0x74: {  	_ =	shalt  }
0x75: {  	_ =	shalt  }
0x76: {  	_ =	shalt  }
0x77: {  	_ =	shalt  }
0x78: {  	_ =	shalt  }
0x79: {  	_ =	shalt  }
0x7a: {  	_ =	shalt  }
0x7b: {  	_ =	shalt  }
0x7c: {  	_ =	shalt  }
0x7d: {  	_ =	shalt  }
0x7e: {  	_ =	shalt  }
0x7f: {  	_ =	shalt  }
0x80: {  	_ =	shalt  }
0x81: {  	_ =	shalt  }
0x82: {  	_ =	shalt  }
0x83: {  	_ =	shalt  }
0x84: {  	_ =	shalt  }
0x85: {  	_ =	shalt  }
0x86: {  	_ =	shalt  }
0x87: {  	_ =	shalt  }
.Lfunc_end0:
.L_simem_size_0:
called_computation_lowered:
.L_overlay_start_0:
0x88: {  	s2 =	sld [smem:$0x3FD9]  }
0x89: {  	s3 =	sld [smem:$0x3FFE];
	_ =	sdelay $0x1  }
0x8a: {  	s1 =	srdreg.scid  }
0x8b: {  	s0 =	sand.u32 $0x1, s1  }
0x8c: {  	s18 =	sshll.u32 s0, $0xA;
	s2 =	sadd.s32 s3, s2  }
0x8d: {  	s2 =	sadd.s32 s2, s18  }
0x8e: {  	[smem:$0x3FC6] =	sst s2  }
0x8f: {  	_ = 	snop  }
0x90: {  	s2 =	sld [smem:$0x3FC9]  }
0x91: {  	s19 =	sld [smem:$0x3FC8]  }
0x92: {  	s4 =	sld [smem:$0x3FD0];
	(tm) =	ssettm $0x1  }
0x93: {  	s5 =	sld [smem:$0x3FFB];
	_ =	sdelay $0x3  }
0x94: {  	_ =	strace s5  }
0x95: {  	s5 =	sld [smem:$0x3FFC];
	_ =	sdelay $0x3  }
0x96: {  	_ =	strace s5  }
0x97: {  	s5 =	sld [smem:$0x3FFD];
	_ =	sdelay $0x3  }
0x98: {  	_ =	strace s5  }
0x99: {  	_ =	strace $0x8FFFFFFF  }
0x9a: {  	s20 =	sld [smem:$0x3FDB];
	_ =	sdelay $0x1  }
0x9b: {  	s6 =	simm.s32 $_scs_section_size  }
0x9c: {  	s7 =	simm.s32 $_size__tile_overlayer_lowered;
	s8 =	simm.s32 $_tile_overlayer_lowered  }
0x9d: {  	s23 =	simm.s32 $0x1BFF;
	s22 =	sshll.u32 s8, $0x1;
	s5 =	sadd.s32 s6, s20  }
0x9e: {  	s9 =	simm.s32 $0x0;
	s21 =	sshll.u32 s7, $0x1;
	s7 =	sadd.s32 s22, s5  }
0x9f: {  	[timem:s9], [sflag:s23] =	dma.local [hbm:s7], s21  }
0xa0: {  	_ =	swait.ge [sflag:s23], s21  }
0xa1: {  	s6 =	ssub.s32 $0x0, s21;
	[sflag:s23] =	ssyncset.done $0x0  }
0xa2: {  	[sflag:s23] =	ssyncadd.s32 s6;
	_ =	sdelay $0x1  }
0xa3: {  	s24 =	simm.s32 $0x1B8B  }
0xa4: {  	_ =	swait.ge [sflag:s24], $0x1  }
0xa5: {  	[sflag:s24] =	ssyncset.done $0x0  }
0xa6: {  	s25 =	simm.s32 $0x1B8E;
	[sflag:s24] =	ssyncadd.s32 $0xFFFFFFFF  }
0xa7: {  	s26 =	simm.s32 $execute0_lowered;
	[smem:$0x3FD2] =	sst s25  }
0xa8: {  	s6 =	sshll.u32 s26, $0x1;
	_ =	strace $0x80000046;
	[dreg:$0x1] =	wrdreg $0xFFFFFFFF  }
0xa9: {  	s28 =	simm.s32 $_size_execute0_lowered;
	s5 =	sadd.s32 s5, s6;
	[dreg:$0x0] =	wrdreg $0x0  }
0xaa: {  	s6 =	sshll.u32 s28, $0x1;
	[dreg:$0x2] =	wrdreg s5  }
0xab: {  	[dreg:$0x3] =	wrdreg s6  }
0xac: {  	[dreg:$0x4] =	wrdreg $0xC0  }
0xad: {  	_ =	task [dreg:s9], $0x5FFFF  }
0xae: {  	[dreg:$0x1] =	wrdreg $0xFFFFFFFF  }
0xaf: {  	[dreg:$0x0] =	wrdreg $0x60  }
0xb0: {  	[dreg:$0x2] =	wrdreg s2  }
0xb1: {  	[dreg:$0x3] =	wrdreg s19  }
0xb2: {  	[dreg:$0x4] =	wrdreg s4  }
0xb3: {  	[dreg:$0x5] =	wrdreg $0x9  }
0xb4: {  	_ =	task.clear_ibuf [dreg:s9], $0x6FFFF;
	_ =	strace $0x90000046  }
0xb5: {  	s29 =	simm.s32 $0x9;
	_ =	strace $0x80000048  }
0xb6: {  	_ =	swait.ge [sflag:s29], $0x1  }
0xb7: {  	[sflag:s29] =	ssyncadd.s32 $0xFFFFFFFF  }
0xb8: {  	_ =	strace $0x90000048  }
0xb9: {  	_ =	sfence  }
0xba: {  	s30 =	sld [smem:$0x0];
	_ =	sdelay $0x2  }
0xbb: {  	s31 =	sshll.u32 s1, $0xD;
	s1 =	sshrl.u32 s1, $0x2  }
0xbc: {  	s3 =	sand.u32 $0x4000, s31;
	s1 =	sadd.s32 s1, s30  }
0xbd: {  	s0 =	sor.u32 s3, s0;
	s1 =	sshll.u32 s1, $0x11  }
0xbe: {  	s0 =	sor.u32 s1, s0  }
0xbf: {  	s0 =	sadd.s32 $0x8F2B, s0  }
0xc0: {  	[sflag:s0] =	ssyncadd.remote.s32 $0x1  }
0xc1: {  	_ =	sfence.sel $0xFFFF  }
0xc2: {  	[dreg:$0x0] =	wrdreg $0xFFFFFFFF;
	(pc) =	sbr.abs _section_cstart, $3  }
0xc3: {  	[dreg:$0x1] =	wrdreg $0xFFFFFFFF  }
0xc4: {  	_ =	task.clear_ibuf [dreg:s9], $0x2FFFF;
	_ =	strace $0x9FFFFFFF  }
0xc5: {  	(tm) =	ssettm $0x7FFFFFFF  }
tec
execute0_lowered:
.L_overlay_start_1:
0x0: {  	(tag) =	ssettag $0x1  }
0x1: {  	s0 =	rddreg [dreg:$0x0]  }
0x2: {  	s29 =	rddreg [dreg:$0x1]  }
0x3: {  	s1 =	rddreg [dreg:$0x2];
	s2 =	srdreg.scid  }
0x4: {  	s5 =	stileid.u32;
	s3 =	simm.s32 $0x0;
	s2 =	sand.u32 $0x1, s2  }
0x5: {  	s4 =	sshll.u32 s5, $0x8;
	s15 =	sshrl.u32 s5, $0x2;
	[smem:$0x7FF] =	sst s3  }
0x6: {  	s7 =	sadd.s32 $0x1800, s29;
	s8 =	sadd.s32 $0x2000, s29;
	s9 =	sadd.s32 $0x2800, s29  }
0x7: {  	s10 =	sadd.s32 $0x3000, s29;
	s11 =	sadd.s32 $0x3800, s29;
	s12 =	sadd.s32 $0x4000, s29  }
0x8: {  	s13 =	sadd.s32 $0x4800, s29;
	s14 =	sadd.s32 $0x5000, s29;
	s22 =	sadd.s32 $0x5800, s29  }
0x9: {  	s16 =	sadd.s32 $0x6000, s29;
	s17 =	sadd.s32 $0x6800, s29;
	s18 =	sadd.s32 $0x7000, s29  }
0xa: {  	s19 =	sadd.s32 $0x7800, s29;
	s20 =	sadd.s32 $0x8000, s29;
	s21 =	sadd.s32 $0x8800, s29  }
0xb: {  	s23 =	sadd.s32 $0xA000, s29;
	s30 =	sadd.s32 $0xA800, s29;
	s28 =	sadd.s32 $0xB800, s29  }
0xc: {  	s24 =	sshll.u32 s2, $0x7;
	s4 =	sand.u32 $0x300, s4;
	s2 =	ssub.s32 $0x2, s2  }
0xd: {  	s25 =	sshll.u32 s15, $0xA;
	_ =	strace $0x80000047;
	s26 =	smul.u32 $0x60000, s15  }
0xe: {  	s15 =	simm.s32 $0x0;
	s4 =	sor.u32 s24, s4;
	s6 =	sshrl.u32 s2, $0x1  }
0xf: {  	[dreg:$0xa] =	wrdreg s28;
	s5 =	sor.u32 s25, s4;
	s2 =	ssub.s32 s2, s6  }
0x10: {  	s6 =	sadd.s32 $0x1000, s29;
	s5 =	sshrl.u32 s5, $0x3;
	s31 =	smax.u32 s2, $0x1  }
0x11: {  	s25 =	simm.s32 $0x80;
	s0 =	sadd.s32 s0, s5;
	[dreg:$0x7] =	wrdreg s31  }
.Ltmp0:
0x12: {  	[dreg:$0x4] =	wrdreg s0;
	s0 =	sor.u32 s26, s4;
	(pc) =	sbr.rel .LBB2_1-.Ltmp0, $4  }
0x13: {  	s26 =	sadd.s32 $0xB000, s29;
	s4 =	sshrl.u32 s0, $0x3;
	s0 =	sadd.s32 $0x180000, s0  }
0x14: {  	[dreg:$0x9] =	wrdreg s26;
	s4 =	sadd.s32 s4, s1;
	s0 =	sshrl.u32 s0, $0x3  }
0x15: {  	v1 =	vlaneseq.u32;
	s2 =	sadd.s32 $0x9800, s29;
	[dreg:$0x5] =	wrdreg s4;
	s0 =	sadd.s32 s0, s1  }
0x16: {  	v0 =	vimm.s32 $0x0;
	vm0 =	vmmov $0xffff;
	v1 =	vmul.u32 $0x8, v1;
	s5 =	sadd.s32 $0x800, s29;
	s4 =	sadd.s32 $0x9000, s29;
	[dreg:$0x6] =	wrdreg s0  }
.LBB2_4:
0x17: {  	s15 =	rddreg [dreg:$0x8]  }
0x18: {  	s1 =	rddreg [dreg:$0x7]  }
0x19: {  	s5 =	smov.u32 s7;
	s7 =	smov.u32 s8;
	s8 =	smov.u32 s9  }
0x1a: {  	s9 =	smov.u32 s2;
	s10 =	smov.u32 s11;
	s11 =	smov.u32 s12  }
0x1b: {  	s12 =	smov.u32 s13;
	s13 =	smov.u32 s14;
	s15 =	sadd.s32 $0x1, s15  }
0x1c: {  	s14 =	smov.u32 s22;
	s22 =	smov.u32 s23;
	p0 =	sne.s32 s15, s1  }
.Ltmp1:
0x1d: {  	s16 =	smov.u32 s17;
	s17 =	smov.u32 s18;
	(pc) =	sbr.rel @!p0 .LBB2_5-.Ltmp1, $4  }
0x1e: {  	s18 =	smov.u32 s19;
	s19 =	smov.u32 s20;
	s20 =	smov.u32 s21  }
0x1f: {  	s21 =	smov.u32 s24;
	s4 =	smov.u32 s26;
	s2 =	smov.u32 s28  }
0x20: {  	s23 =	smov.u32 s29;
	s26 =	rddreg [dreg:$0x9];
	s1 =	smov.u32 s6  }
0x21: {  	s28 =	smov.u32 s31;
	s6 =	smov.u32 s0;
	s29 =	smov.u32 s1  }
.LBB2_1:
0x22: {  	[dreg:$0x8] =	wrdreg s15  }
0x23: {  	s1 =	rddreg [dreg:$0x4];
	s0 =	simm.s32 $0x5  }
0x24: {  	[tilespmem:s3], [sflag:$0x5] =	stream.linear.gather [hbm4b:s1+s3], $0x80, $0x38;
	[tilespmem:$0x18080] =	vst v63  }
0x25: {  	_ =	swait.ge [sflag:s0], $0x80  }
0x26: {  	[sflag:s0] =	ssyncset.done $0x0  }
0x27: {  	[sflag:s0] =	ssyncadd.s32 $0xFFFFFF80  }
0x28: {  	v2 =	vld.msk [tilespmem:$0x0], $0x1;
	_ =	sdelay $0x4  }
0x29: {  	v3 =	vshrl.u32 v2, $0x3  }
0x2a: {  	v3 =	vmul.u32 $0xC00, v3  }
0x2b: {  	v2 =	vand.u32 $0x7, v2  }
0x2c: {  	v2 =	vor.u32 v2, v3  }
0x2d: {  	v2 =	vperm.xlane v2, v0;
	_ =	sdelay $0x1  }
0x2e: {  	v2 =	vadd.s32 v1, v2;
	_ =	sdelay $0x4  }
0x2f: {  	[tilespmem:s25], [sflag:$0x1] =	stream.indirect_vreg.gather [hbm4b:s29+s3], $0x80, v2, vm0, $0xb8;
	[tilespmem:$0x18080] =	vst v63  }
0x30: {  	s31 =	simm.s32 $0x880  }
0x31: {  	[tilespmem:s31], [sflag:$0x1] =	stream.indirect_vreg.gather [hbm4b:s5+s3], $0x80, v2, vm0, $0xb8;
	[tilespmem:$0x18080] =	vst v63  }
0x32: {  	s1 =	simm.s32 $0x1080  }
0x33: {  	[tilespmem:s1], [sflag:$0x1] =	stream.indirect_vreg.gather [hbm4b:s6+s3], $0x80, v2, vm0, $0xb8;
	[tilespmem:$0x18080] =	vst v63  }
0x34: {  	s15 =	simm.s32 $0x1880  }
0x35: {  	[tilespmem:s15], [sflag:$0x1] =	stream.indirect_vreg.gather [hbm4b:s7+s3], $0x80, v2, vm0, $0xb8;
	[tilespmem:$0x18080] =	vst v63  }
0x36: {  	s24 =	simm.s32 $0x2080  }
0x37: {  	[tilespmem:s24], [sflag:$0x1] =	stream.indirect_vreg.gather [hbm4b:s8+s3], $0x80, v2, vm0, $0xb8;
	[tilespmem:$0x18080] =	vst v63  }
0x38: {  	s25 =	simm.s32 $0x2880  }
0x39: {  	[tilespmem:s25], [sflag:$0x1] =	stream.indirect_vreg.gather [hbm4b:s9+s3], $0x80, v2, vm0, $0xb8;
	[tilespmem:$0x18080] =	vst v63  }
0x3a: {  	s31 =	simm.s32 $0x3080  }
0x3b: {  	[tilespmem:s31], [sflag:$0x1] =	stream.indirect_vreg.gather [hbm4b:s10+s3], $0x80, v2, vm0, $0xb8;
	[tilespmem:$0x18080] =	vst v63  }
0x3c: {  	s1 =	simm.s32 $0x3880  }
0x3d: {  	[tilespmem:s1], [sflag:$0x1] =	stream.indirect_vreg.gather [hbm4b:s11+s3], $0x80, v2, vm0, $0xb8;
	[tilespmem:$0x18080] =	vst v63  }
0x3e: {  	s15 =	simm.s32 $0x4080  }
0x3f: {  	[tilespmem:s15], [sflag:$0x1] =	stream.indirect_vreg.gather [hbm4b:s12+s3], $0x80, v2, vm0, $0xb8;
	[tilespmem:$0x18080] =	vst v63  }
0x40: {  	s24 =	simm.s32 $0x4880  }
0x41: {  	[tilespmem:s24], [sflag:$0x1] =	stream.indirect_vreg.gather [hbm4b:s13+s3], $0x80, v2, vm0, $0xb8;
	[tilespmem:$0x18080] =	vst v63  }
0x42: {  	s25 =	simm.s32 $0x5080  }
0x43: {  	[tilespmem:s25], [sflag:$0x1] =	stream.indirect_vreg.gather [hbm4b:s14+s3], $0x80, v2, vm0, $0xb8;
	[tilespmem:$0x18080] =	vst v63  }
0x44: {  	s31 =	simm.s32 $0x5880  }
0x45: {  	[tilespmem:s31], [sflag:$0x1] =	stream.indirect_vreg.gather [hbm4b:s22+s3], $0x80, v2, vm0, $0xb8;
	[tilespmem:$0x18080] =	vst v63  }
0x46: {  	s1 =	simm.s32 $0x6080  }
0x47: {  	[tilespmem:s1], [sflag:$0x1] =	stream.indirect_vreg.gather [hbm4b:s16+s3], $0x80, v2, vm0, $0xb8;
	[tilespmem:$0x18080] =	vst v63  }
0x48: {  	s15 =	simm.s32 $0x6880  }
0x49: {  	[tilespmem:s15], [sflag:$0x1] =	stream.indirect_vreg.gather [hbm4b:s17+s3], $0x80, v2, vm0, $0xb8;
	[tilespmem:$0x18080] =	vst v63  }
0x4a: {  	s24 =	simm.s32 $0x7080  }
0x4b: {  	[tilespmem:s24], [sflag:$0x1] =	stream.indirect_vreg.gather [hbm4b:s18+s3], $0x80, v2, vm0, $0xb8;
	[tilespmem:$0x18080] =	vst v63  }
0x4c: {  	s25 =	simm.s32 $0x7880  }
0x4d: {  	[tilespmem:s25], [sflag:$0x1] =	stream.indirect_vreg.gather [hbm4b:s19+s3], $0x80, v2, vm0, $0xb8;
	[tilespmem:$0x18080] =	vst v63  }
0x4e: {  	s31 =	simm.s32 $0x8080  }
0x4f: {  	[tilespmem:s31], [sflag:$0x1] =	stream.indirect_vreg.gather [hbm4b:s20+s3], $0x80, v2, vm0, $0xb8;
	[tilespmem:$0x18080] =	vst v63  }
0x50: {  	s1 =	simm.s32 $0x8880  }
0x51: {  	[tilespmem:s1], [sflag:$0x1] =	stream.indirect_vreg.gather [hbm4b:s21+s3], $0x80, v2, vm0, $0xb8;
	[tilespmem:$0x18080] =	vst v63  }
0x52: {  	s15 =	simm.s32 $0x9080  }
0x53: {  	[tilespmem:s15], [sflag:$0x1] =	stream.indirect_vreg.gather [hbm4b:s4+s3], $0x80, v2, vm0, $0xb8;
	[tilespmem:$0x18080] =	vst v63  }
0x54: {  	s24 =	simm.s32 $0x9880  }
0x55: {  	[tilespmem:s24], [sflag:$0x1] =	stream.indirect_vreg.gather [hbm4b:s2+s3], $0x80, v2, vm0, $0xb8;
	[tilespmem:$0x18080] =	vst v63  }
0x56: {  	s25 =	simm.s32 $0xA080  }
0x57: {  	[tilespmem:s25], [sflag:$0x1] =	stream.indirect_vreg.gather [hbm4b:s23+s3], $0x80, v2, vm0, $0xb8;
	[tilespmem:$0x18080] =	vst v63  }
0x58: {  	s31 =	simm.s32 $0xA880  }
0x59: {  	[tilespmem:s31], [sflag:$0x1] =	stream.indirect_vreg.gather [hbm4b:s30+s3], $0x80, v2, vm0, $0xb8;
	[tilespmem:$0x18080] =	vst v63  }
0x5a: {  	s1 =	simm.s32 $0xB080  }
0x5b: {  	[tilespmem:s1], [sflag:$0x1] =	stream.indirect_vreg.gather [hbm4b:s26+s3], $0x80, v2, vm0, $0xb8;
	[tilespmem:$0x18080] =	vst v63  }
0x5c: {  	s15 =	simm.s32 $0xB880  }
0x5d: {  	[tilespmem:s15], [sflag:$0x1] =	stream.indirect_vreg.gather [hbm4b:s28+s3], $0x80, v2, vm0, $0xb8;
	[tilespmem:$0x18080] =	vst v63  }
0x5e: {  	v2 =	vld.msk [tilespmem:$0x1], $0x1;
	_ =	sdelay $0x4  }
0x5f: {  	v3 =	vshrl.u32 v2, $0x3  }
0x60: {  	v3 =	vmul.u32 $0xC00, v3  }
0x61: {  	v2 =	vand.u32 $0x7, v2  }
0x62: {  	v2 =	vor.u32 v2, v3  }
0x63: {  	v2 =	vperm.xlane v2, v0;
	_ =	sdelay $0x1  }
0x64: {  	v2 =	vadd.s32 v1, v2;
	_ =	sdelay $0x3  }
0x65: {  	s15 =	simm.s32 $0xC080  }
0x66: {  	[tilespmem:s15], [sflag:$0x2] =	stream.indirect_vreg.gather [hbm4b:s29+s3], $0x80, v2, vm0, $0xb8;
	[tilespmem:$0x18080] =	vst v63  }
0x67: {  	s24 =	simm.s32 $0xC880  }
0x68: {  	[tilespmem:s24], [sflag:$0x2] =	stream.indirect_vreg.gather [hbm4b:s5+s3], $0x80, v2, vm0, $0xb8;
	[tilespmem:$0x18080] =	vst v63  }
0x69: {  	s25 =	simm.s32 $0xD080  }
0x6a: {  	[tilespmem:s25], [sflag:$0x2] =	stream.indirect_vreg.gather [hbm4b:s6+s3], $0x80, v2, vm0, $0xb8;
	[tilespmem:$0x18080] =	vst v63  }
0x6b: {  	s31 =	simm.s32 $0xD880  }
0x6c: {  	[tilespmem:s31], [sflag:$0x2] =	stream.indirect_vreg.gather [hbm4b:s7+s3], $0x80, v2, vm0, $0xb8;
	[tilespmem:$0x18080] =	vst v63  }
0x6d: {  	s1 =	simm.s32 $0xE080  }
0x6e: {  	[tilespmem:s1], [sflag:$0x2] =	stream.indirect_vreg.gather [hbm4b:s8+s3], $0x80, v2, vm0, $0xb8;
	[tilespmem:$0x18080] =	vst v63  }
0x6f: {  	s24 =	simm.s32 $0xE880  }
0x70: {  	[tilespmem:s24], [sflag:$0x2] =	stream.indirect_vreg.gather [hbm4b:s9+s3], $0x80, v2, vm0, $0xb8;
	[tilespmem:$0x18080] =	vst v63  }
0x71: {  	s25 =	simm.s32 $0xF080  }
0x72: {  	[tilespmem:s25], [sflag:$0x2] =	stream.indirect_vreg.gather [hbm4b:s10+s3], $0x80, v2, vm0, $0xb8;
	[tilespmem:$0x18080] =	vst v63  }
0x73: {  	s31 =	simm.s32 $0xF880  }
0x74: {  	[tilespmem:s31], [sflag:$0x2] =	stream.indirect_vreg.gather [hbm4b:s11+s3], $0x80, v2, vm0, $0xb8;
	[tilespmem:$0x18080] =	vst v63  }
0x75: {  	s1 =	simm.s32 $0x10080  }
0x76: {  	[tilespmem:s1], [sflag:$0x2] =	stream.indirect_vreg.gather [hbm4b:s12+s3], $0x80, v2, vm0, $0xb8;
	[tilespmem:$0x18080] =	vst v63  }
0x77: {  	s24 =	simm.s32 $0x10880  }
0x78: {  	[tilespmem:s24], [sflag:$0x2] =	stream.indirect_vreg.gather [hbm4b:s13+s3], $0x80, v2, vm0, $0xb8;
	[tilespmem:$0x18080] =	vst v63  }
0x79: {  	s25 =	simm.s32 $0x11080  }
0x7a: {  	[tilespmem:s25], [sflag:$0x2] =	stream.indirect_vreg.gather [hbm4b:s14+s3], $0x80, v2, vm0, $0xb8;
	[tilespmem:$0x18080] =	vst v63  }
0x7b: {  	s31 =	simm.s32 $0x11880  }
0x7c: {  	[tilespmem:s31], [sflag:$0x2] =	stream.indirect_vreg.gather [hbm4b:s22+s3], $0x80, v2, vm0, $0xb8;
	[tilespmem:$0x18080] =	vst v63  }
0x7d: {  	s1 =	simm.s32 $0x12080  }
0x7e: {  	[tilespmem:s1], [sflag:$0x2] =	stream.indirect_vreg.gather [hbm4b:s16+s3], $0x80, v2, vm0, $0xb8;
	[tilespmem:$0x18080] =	vst v63  }
0x7f: {  	s24 =	simm.s32 $0x12880  }
0x80: {  	[tilespmem:s24], [sflag:$0x2] =	stream.indirect_vreg.gather [hbm4b:s17+s3], $0x80, v2, vm0, $0xb8;
	[tilespmem:$0x18080] =	vst v63  }
0x81: {  	s25 =	simm.s32 $0x13080  }
0x82: {  	[tilespmem:s25], [sflag:$0x2] =	stream.indirect_vreg.gather [hbm4b:s18+s3], $0x80, v2, vm0, $0xb8;
	[tilespmem:$0x18080] =	vst v63  }
0x83: {  	s31 =	simm.s32 $0x13880  }
0x84: {  	[tilespmem:s31], [sflag:$0x2] =	stream.indirect_vreg.gather [hbm4b:s19+s3], $0x80, v2, vm0, $0xb8;
	[tilespmem:$0x18080] =	vst v63  }
0x85: {  	s1 =	simm.s32 $0x14080  }
0x86: {  	[tilespmem:s1], [sflag:$0x2] =	stream.indirect_vreg.gather [hbm4b:s20+s3], $0x80, v2, vm0, $0xb8;
	[tilespmem:$0x18080] =	vst v63  }
0x87: {  	s24 =	simm.s32 $0x14880  }
0x88: {  	[tilespmem:s24], [sflag:$0x2] =	stream.indirect_vreg.gather [hbm4b:s21+s3], $0x80, v2, vm0, $0xb8;
	[tilespmem:$0x18080] =	vst v63  }
0x89: {  	s0 =	smov.u32 s6;
	s25 =	simm.s32 $0x15080  }
0x8a: {  	[tilespmem:s25], [sflag:$0x2] =	stream.indirect_vreg.gather [hbm4b:s4+s3], $0x80, v2, vm0, $0xb8;
	[tilespmem:$0x18080] =	vst v63  }
0x8b: {  	s6 =	smov.u32 s29;
	s29 =	smov.u32 s23;
	s31 =	simm.s32 $0x15880  }
0x8c: {  	[tilespmem:s31], [sflag:$0x2] =	stream.indirect_vreg.gather [hbm4b:s2+s3], $0x80, v2, vm0, $0xb8;
	[tilespmem:$0x18080] =	vst v63  }
0x8d: {  	s1 =	simm.s32 $0x16080;
	s24 =	simm.s32 $0x16880;
	s25 =	simm.s32 $0x17080  }
0x8e: {  	[tilespmem:s1], [sflag:$0x2] =	stream.indirect_vreg.gather [hbm4b:s23+s3], $0x80, v2, vm0, $0xb8;
	[tilespmem:$0x18080] =	vst v63  }
0x8f: {  	s31 =	simm.s32 $0x17880;
	s1 =	simm.s32 $0x3;
	s23 =	smov.u32 s22  }
0x90: {  	s22 =	smov.u32 s14;
	s14 =	smov.u32 s13;
	s13 =	smov.u32 s12  }
0x91: {  	[tilespmem:s24], [sflag:$0x2] =	stream.indirect_vreg.gather [hbm4b:s30+s3], $0x80, v2, vm0, $0xb8;
	[tilespmem:$0x18080] =	vst v63  }
0x92: {  	s12 =	smov.u32 s11;
	s11 =	smov.u32 s10;
	s24 =	smov.u32 s21  }
0x93: {  	s21 =	smov.u32 s20;
	s20 =	smov.u32 s19;
	s19 =	smov.u32 s18  }
0x94: {  	[tilespmem:s25], [sflag:$0x2] =	stream.indirect_vreg.gather [hbm4b:s26+s3], $0x80, v2, vm0, $0xb8;
	[tilespmem:$0x18080] =	vst v63  }
0x95: {  	s18 =	smov.u32 s17;
	s17 =	smov.u32 s16;
	s26 =	smov.u32 s4  }
0x96: {  	[tilespmem:s31], [sflag:$0x2] =	stream.indirect_vreg.gather [hbm4b:s28+s3], $0x80, v2, vm0, $0xb8;
	[tilespmem:$0x18080] =	vst v63  }
0x97: {  	s4 =	simm.s32 $0x0;
	s28 =	smov.u32 s2;
	s2 =	smov.u32 s9  }
0x98: {  	s9 =	smov.u32 s8;
	s8 =	smov.u32 s7;
	s7 =	smov.u32 s5  }
.LBB2_2:
0x99: {  	s5 =	simm.s32 $0x1  }
0x9a: {  	_ =	swait.ge [sflag:s5], $0xC000  }
0x9b: {  	s10 =	simm.s32 $0x80;
	[sflag:s5] =	ssyncset.done $0x0;
	s16 =	rddreg [dreg:$0x5]  }
0x9c: {  	[sflag:s5] =	ssyncadd.s32 $0xFFFF4000;
	s25 =	sadd.s32 s4, s16;
	s16 =	simm.s32 $0x400  }
0x9d: {  	[hbm4b:s25+s10] =	stream.strided.scatter [tilespmem:s10], [sflag:$0x3], $0xC000, s16, s10, $0x38;
	[tilespmem:$0x18080] =	vst v63  }
0x9e: {  	s25 =	simm.s32 $0x3  }
0x9f: {  	_ =	swait.ge [sflag:s25], $0xC000  }
0xa0: {  	[sflag:s25] =	ssyncset.done $0x0  }
0xa1: {  	p0 =	seq.s32 s4, $0x900000;
	[sflag:s25] =	ssyncadd.s32 $0xFFFF4000  }
0xa2: {  	v2 =	vld.msk @!p0 [tilespmem:s1+$0xFFFFFFFF], $0x1;
	_ =	sdelay $0x4  }
0xa3: {  	v3 =	vshrl.u32 @!p0 v2, $0x3  }
0xa4: {  	v3 =	vmul.u32 @!p0 $0xC00, v3  }
0xa5: {  	v2 =	vand.u32 @!p0 $0x7, v2  }
0xa6: {  	v4 =	vlaneseq.u32 @!p0;
	v2 =	vor.u32 @!p0 v2, v3;
	v3 =	vimm.s32 @!p0 $0x0  }
0xa7: {  	v2 =	vperm.xlane @!p0 v2, v3;
	v3 =	vmul.u32 @!p0 $0x8, v4;
	_ =	sdelay $0x1  }
0xa8: {  	v2 =	vadd.s32 @!p0 v3, v2;
	_ =	sdelay $0x3  }
0xa9: {  	vm1 =	vmmov @!p0 $0xffff;
	s5 =	simm.s32 @!p0 $0x80;
	s25 =	simm.s32 @!p0 $0x0  }
0xaa: {  	[tilespmem:s5], [sflag:$0x1] =	stream.indirect_vreg.gather @!p0 [hbm4b:s6+s25], $0x80, v2, vm1, $0xb8;
	[tilespmem:$0x18080] =	vst v63  }
0xab: {  	s5 =	simm.s32 @!p0 $0x880  }
0xac: {  	[tilespmem:s5], [sflag:$0x1] =	stream.indirect_vreg.gather @!p0 [hbm4b:s7+s25], $0x80, v2, vm1, $0xb8;
	[tilespmem:$0x18080] =	vst v63  }
0xad: {  	s5 =	simm.s32 @!p0 $0x1080  }
0xae: {  	[tilespmem:s5], [sflag:$0x1] =	stream.indirect_vreg.gather @!p0 [hbm4b:s0+s25], $0x80, v2, vm1, $0xb8;
	[tilespmem:$0x18080] =	vst v63  }
0xaf: {  	s5 =	simm.s32 @!p0 $0x1880  }
0xb0: {  	[tilespmem:s5], [sflag:$0x1] =	stream.indirect_vreg.gather @!p0 [hbm4b:s8+s25], $0x80, v2, vm1, $0xb8;
	[tilespmem:$0x18080] =	vst v63  }
0xb1: {  	s5 =	simm.s32 @!p0 $0x2080  }
0xb2: {  	[tilespmem:s5], [sflag:$0x1] =	stream.indirect_vreg.gather @!p0 [hbm4b:s9+s25], $0x80, v2, vm1, $0xb8;
	[tilespmem:$0x18080] =	vst v63  }
0xb3: {  	s5 =	simm.s32 @!p0 $0x2880  }
0xb4: {  	[tilespmem:s5], [sflag:$0x1] =	stream.indirect_vreg.gather @!p0 [hbm4b:s2+s25], $0x80, v2, vm1, $0xb8;
	[tilespmem:$0x18080] =	vst v63  }
0xb5: {  	s5 =	simm.s32 @!p0 $0x3080  }
0xb6: {  	[tilespmem:s5], [sflag:$0x1] =	stream.indirect_vreg.gather @!p0 [hbm4b:s11+s25], $0x80, v2, vm1, $0xb8;
	[tilespmem:$0x18080] =	vst v63  }
0xb7: {  	s5 =	simm.s32 @!p0 $0x3880  }
0xb8: {  	[tilespmem:s5], [sflag:$0x1] =	stream.indirect_vreg.gather @!p0 [hbm4b:s12+s25], $0x80, v2, vm1, $0xb8;
	[tilespmem:$0x18080] =	vst v63  }
0xb9: {  	s5 =	simm.s32 @!p0 $0x4080  }
0xba: {  	[tilespmem:s5], [sflag:$0x1] =	stream.indirect_vreg.gather @!p0 [hbm4b:s13+s25], $0x80, v2, vm1, $0xb8;
	[tilespmem:$0x18080] =	vst v63  }
0xbb: {  	s5 =	simm.s32 @!p0 $0x4880  }
0xbc: {  	[tilespmem:s5], [sflag:$0x1] =	stream.indirect_vreg.gather @!p0 [hbm4b:s14+s25], $0x80, v2, vm1, $0xb8;
	[tilespmem:$0x18080] =	vst v63  }
0xbd: {  	s5 =	simm.s32 @!p0 $0x5080  }
0xbe: {  	[tilespmem:s5], [sflag:$0x1] =	stream.indirect_vreg.gather @!p0 [hbm4b:s22+s25], $0x80, v2, vm1, $0xb8;
	[tilespmem:$0x18080] =	vst v63  }
0xbf: {  	s5 =	simm.s32 @!p0 $0x5880  }
0xc0: {  	[tilespmem:s5], [sflag:$0x1] =	stream.indirect_vreg.gather @!p0 [hbm4b:s23+s25], $0x80, v2, vm1, $0xb8;
	[tilespmem:$0x18080] =	vst v63  }
0xc1: {  	s5 =	simm.s32 @!p0 $0x6080  }
0xc2: {  	[tilespmem:s5], [sflag:$0x1] =	stream.indirect_vreg.gather @!p0 [hbm4b:s17+s25], $0x80, v2, vm1, $0xb8;
	[tilespmem:$0x18080] =	vst v63  }
0xc3: {  	s5 =	simm.s32 @!p0 $0x6880  }
0xc4: {  	[tilespmem:s5], [sflag:$0x1] =	stream.indirect_vreg.gather @!p0 [hbm4b:s18+s25], $0x80, v2, vm1, $0xb8;
	[tilespmem:$0x18080] =	vst v63  }
0xc5: {  	s5 =	simm.s32 @!p0 $0x7080  }
0xc6: {  	[tilespmem:s5], [sflag:$0x1] =	stream.indirect_vreg.gather @!p0 [hbm4b:s19+s25], $0x80, v2, vm1, $0xb8;
	[tilespmem:$0x18080] =	vst v63  }
0xc7: {  	s5 =	simm.s32 @!p0 $0x7880  }
0xc8: {  	[tilespmem:s5], [sflag:$0x1] =	stream.indirect_vreg.gather @!p0 [hbm4b:s20+s25], $0x80, v2, vm1, $0xb8;
	[tilespmem:$0x18080] =	vst v63  }
0xc9: {  	s5 =	simm.s32 @!p0 $0x8080  }
0xca: {  	[tilespmem:s5], [sflag:$0x1] =	stream.indirect_vreg.gather @!p0 [hbm4b:s21+s25], $0x80, v2, vm1, $0xb8;
	[tilespmem:$0x18080] =	vst v63  }
0xcb: {  	s5 =	simm.s32 @!p0 $0x8880  }
0xcc: {  	[tilespmem:s5], [sflag:$0x1] =	stream.indirect_vreg.gather @!p0 [hbm4b:s24+s25], $0x80, v2, vm1, $0xb8;
	[tilespmem:$0x18080] =	vst v63  }
0xcd: {  	s5 =	simm.s32 @!p0 $0x9080  }
0xce: {  	[tilespmem:s5], [sflag:$0x1] =	stream.indirect_vreg.gather @!p0 [hbm4b:s26+s25], $0x80, v2, vm1, $0xb8;
	[tilespmem:$0x18080] =	vst v63  }
0xcf: {  	s5 =	simm.s32 @!p0 $0x9880  }
0xd0: {  	[tilespmem:s5], [sflag:$0x1] =	stream.indirect_vreg.gather @!p0 [hbm4b:s28+s25], $0x80, v2, vm1, $0xb8;
	[tilespmem:$0x18080] =	vst v63  }
0xd1: {  	s5 =	simm.s32 @!p0 $0xA080  }
0xd2: {  	[tilespmem:s5], [sflag:$0x1] =	stream.indirect_vreg.gather @!p0 [hbm4b:s29+s25], $0x80, v2, vm1, $0xb8;
	[tilespmem:$0x18080] =	vst v63  }
0xd3: {  	s5 =	simm.s32 @!p0 $0xA880  }
0xd4: {  	[tilespmem:s5], [sflag:$0x1] =	stream.indirect_vreg.gather @!p0 [hbm4b:s30+s25], $0x80, v2, vm1, $0xb8;
	[tilespmem:$0x18080] =	vst v63  }
0xd5: {  	s31 =	rddreg [dreg:$0x9];
	s5 =	simm.s32 @!p0 $0xB080  }
0xd6: {  	[tilespmem:s5], [sflag:$0x1] =	stream.indirect_vreg.gather @!p0 [hbm4b:s31+s25], $0x80, v2, vm1, $0xb8;
	[tilespmem:$0x18080] =	vst v63  }
0xd7: {  	s5 =	simm.s32 @!p0 $0xB880;
	s31 =	rddreg [dreg:$0xa]  }
0xd8: {  	[tilespmem:s5], [sflag:$0x1] =	stream.indirect_vreg.gather @!p0 [hbm4b:s31+s25], $0x80, v2, vm1, $0xb8;
	[tilespmem:$0x18080] =	vst v63  }
0xd9: {  	s25 =	simm.s32 $0x2  }
0xda: {  	_ =	swait.ge [sflag:s25], $0xC000  }
0xdb: {  	[sflag:s25] =	ssyncset.done $0x0  }
0xdc: {  	[sflag:s25] =	ssyncadd.s32 $0xFFFF4000;
	s25 =	rddreg [dreg:$0x6]  }
0xdd: {  	s5 =	sadd.s32 s4, s25  }
0xde: {  	[hbm4b:s5+s10] =	stream.strided.scatter [tilespmem:s15], [sflag:$0x4], $0xC000, s16, s10, $0x38;
	[tilespmem:$0x18080] =	vst v63  }
.Ltmp2:
0xdf: {  	_ = 	snop;
	(pc) =	sbr.rel @p0 .LBB2_4-.Ltmp2, $4  }
0xe0: {  	s16 =	simm.s32 $0x4  }
0xe1: {  	_ =	swait.ge [sflag:s16], $0xC000  }
0xe2: {  	[sflag:s16] =	ssyncset.done $0x0  }
0xe3: {  	s25 =	simm.s32 $0x80;
	s5 =	simm.s32 $0xC080;
	[sflag:s16] =	ssyncadd.s32 $0xFFFF4000  }
0xe4: {  	v2 =	vld.msk [tilespmem:s1+$0x0], $0x1;
	_ =	sdelay $0x4  }
0xe5: {  	v3 =	vshrl.u32 v2, $0x3  }
0xe6: {  	v3 =	vmul.u32 $0xC00, v3  }
0xe7: {  	v2 =	vand.u32 $0x7, v2  }
0xe8: {  	v2 =	vor.u32 v2, v3  }
0xe9: {  	v2 =	vperm.xlane v2, v0;
	_ =	sdelay $0x1  }
0xea: {  	v2 =	vadd.s32 v1, v2;
	_ =	sdelay $0x4  }
0xeb: {  	[tilespmem:s5], [sflag:$0x2] =	stream.indirect_vreg.gather [hbm4b:s6+s3], $0x80, v2, vm0, $0xb8;
	[tilespmem:$0x18080] =	vst v63  }
0xec: {  	s15 =	simm.s32 $0xC880  }
0xed: {  	[tilespmem:s15], [sflag:$0x2] =	stream.indirect_vreg.gather [hbm4b:s7+s3], $0x80, v2, vm0, $0xb8;
	[tilespmem:$0x18080] =	vst v63  }
0xee: {  	s16 =	simm.s32 $0xD080  }
0xef: {  	[tilespmem:s16], [sflag:$0x2] =	stream.indirect_vreg.gather [hbm4b:s0+s3], $0x80, v2, vm0, $0xb8;
	[tilespmem:$0x18080] =	vst v63  }
0xf0: {  	s25 =	simm.s32 $0xD880  }
0xf1: {  	[tilespmem:s25], [sflag:$0x2] =	stream.indirect_vreg.gather [hbm4b:s8+s3], $0x80, v2, vm0, $0xb8;
	[tilespmem:$0x18080] =	vst v63  }
0xf2: {  	s10 =	simm.s32 $0xE080  }
0xf3: {  	[tilespmem:s10], [sflag:$0x2] =	stream.indirect_vreg.gather [hbm4b:s9+s3], $0x80, v2, vm0, $0xb8;
	[tilespmem:$0x18080] =	vst v63  }
0xf4: {  	s15 =	simm.s32 $0xE880  }
0xf5: {  	[tilespmem:s15], [sflag:$0x2] =	stream.indirect_vreg.gather [hbm4b:s2+s3], $0x80, v2, vm0, $0xb8;
	[tilespmem:$0x18080] =	vst v63  }
0xf6: {  	s16 =	simm.s32 $0xF080  }
0xf7: {  	[tilespmem:s16], [sflag:$0x2] =	stream.indirect_vreg.gather [hbm4b:s11+s3], $0x80, v2, vm0, $0xb8;
	[tilespmem:$0x18080] =	vst v63  }
0xf8: {  	s25 =	simm.s32 $0xF880  }
0xf9: {  	[tilespmem:s25], [sflag:$0x2] =	stream.indirect_vreg.gather [hbm4b:s12+s3], $0x80, v2, vm0, $0xb8;
	[tilespmem:$0x18080] =	vst v63  }
0xfa: {  	s10 =	simm.s32 $0x10080  }
0xfb: {  	[tilespmem:s10], [sflag:$0x2] =	stream.indirect_vreg.gather [hbm4b:s13+s3], $0x80, v2, vm0, $0xb8;
	[tilespmem:$0x18080] =	vst v63  }
0xfc: {  	s15 =	simm.s32 $0x10880  }
0xfd: {  	[tilespmem:s15], [sflag:$0x2] =	stream.indirect_vreg.gather [hbm4b:s14+s3], $0x80, v2, vm0, $0xb8;
	[tilespmem:$0x18080] =	vst v63  }
0xfe: {  	s16 =	simm.s32 $0x11080  }
0xff: {  	[tilespmem:s16], [sflag:$0x2] =	stream.indirect_vreg.gather [hbm4b:s22+s3], $0x80, v2, vm0, $0xb8;
	[tilespmem:$0x18080] =	vst v63  }
0x100: {  	s25 =	simm.s32 $0x11880  }
0x101: {  	[tilespmem:s25], [sflag:$0x2] =	stream.indirect_vreg.gather [hbm4b:s23+s3], $0x80, v2, vm0, $0xb8;
	[tilespmem:$0x18080] =	vst v63  }
0x102: {  	s10 =	simm.s32 $0x12080  }
0x103: {  	[tilespmem:s10], [sflag:$0x2] =	stream.indirect_vreg.gather [hbm4b:s17+s3], $0x80, v2, vm0, $0xb8;
	[tilespmem:$0x18080] =	vst v63  }
0x104: {  	s15 =	simm.s32 $0x12880  }
0x105: {  	[tilespmem:s15], [sflag:$0x2] =	stream.indirect_vreg.gather [hbm4b:s18+s3], $0x80, v2, vm0, $0xb8;
	[tilespmem:$0x18080] =	vst v63  }
0x106: {  	s16 =	simm.s32 $0x13080  }
0x107: {  	[tilespmem:s16], [sflag:$0x2] =	stream.indirect_vreg.gather [hbm4b:s19+s3], $0x80, v2, vm0, $0xb8;
	[tilespmem:$0x18080] =	vst v63  }
0x108: {  	s25 =	simm.s32 $0x13880  }
0x109: {  	[tilespmem:s25], [sflag:$0x2] =	stream.indirect_vreg.gather [hbm4b:s20+s3], $0x80, v2, vm0, $0xb8;
	[tilespmem:$0x18080] =	vst v63  }
0x10a: {  	s10 =	simm.s32 $0x14080  }
0x10b: {  	[tilespmem:s10], [sflag:$0x2] =	stream.indirect_vreg.gather [hbm4b:s21+s3], $0x80, v2, vm0, $0xb8;
	[tilespmem:$0x18080] =	vst v63  }
0x10c: {  	s15 =	simm.s32 $0x14880  }
0x10d: {  	[tilespmem:s15], [sflag:$0x2] =	stream.indirect_vreg.gather [hbm4b:s24+s3], $0x80, v2, vm0, $0xb8;
	[tilespmem:$0x18080] =	vst v63  }
0x10e: {  	s16 =	simm.s32 $0x15080  }
0x10f: {  	[tilespmem:s16], [sflag:$0x2] =	stream.indirect_vreg.gather [hbm4b:s26+s3], $0x80, v2, vm0, $0xb8;
	[tilespmem:$0x18080] =	vst v63  }
0x110: {  	s25 =	simm.s32 $0x15880  }
0x111: {  	[tilespmem:s25], [sflag:$0x2] =	stream.indirect_vreg.gather [hbm4b:s28+s3], $0x80, v2, vm0, $0xb8;
	[tilespmem:$0x18080] =	vst v63  }
0x112: {  	s10 =	simm.s32 $0x16080  }
0x113: {  	[tilespmem:s10], [sflag:$0x2] =	stream.indirect_vreg.gather [hbm4b:s29+s3], $0x80, v2, vm0, $0xb8;
	[tilespmem:$0x18080] =	vst v63  }
0x114: {  	s15 =	simm.s32 $0x16880  }
0x115: {  	[tilespmem:s15], [sflag:$0x2] =	stream.indirect_vreg.gather [hbm4b:s30+s3], $0x80, v2, vm0, $0xb8;
	[tilespmem:$0x18080] =	vst v63  }
.Ltmp3:
0x116: {  	_ = 	snop;
	(pc) =	sbr.rel .LBB2_2-.Ltmp3, $4  }
0x117: {  	s4 =	sadd.s32 $0x60000, s4;
	s16 =	simm.s32 $0x17080;
	s10 =	rddreg [dreg:$0x9]  }
0x118: {  	[tilespmem:s16], [sflag:$0x2] =	stream.indirect_vreg.gather [hbm4b:s10+s3], $0x80, v2, vm0, $0xb8;
	[tilespmem:$0x18080] =	vst v63  }
0x119: {  	s1 =	sadd.s32 $0x2, s1;
	s25 =	simm.s32 $0x17880;
	s15 =	simm.s32 $0xC080  }
0x11a: {  	[tilespmem:s25], [sflag:$0x2] =	stream.indirect_vreg.gather [hbm4b:s31+s3], $0x80, v2, vm0, $0xb8;
	[tilespmem:$0x18080] =	vst v63  }
.LBB2_5:
0x11b: {  	_ =	sfence.sel $0x180000  }
0x11c: {  	[bflag:$0x0] =	sbarrier.arrive $0xFFFF  }
0x11d: {  	_ =	strace $0x90000047  }
0x11e: {  	s0 =	stileid.u32;
	[bflag:$0x2] =	sbarrier.arrive $0xFFFF  }
0x11f: {  	p0 =	sne.s32 s0, $0x0;
	s0 =	rddreg [dreg:$0x3]  }
0x120: {  	s0 =	sadd.s32 @!p0 $0x100000, s0  }
0x121: {  	[sflag:s0] =	ssyncadd.tile.s32 @!p0 $0x1;
	_ =	shalt  }
.Lfunc_end2:
_tile_overlayer_lowered:
.L_overlay_start_2:
0x122: {  	(tag) =	ssettag $0x2  }
0x123: {  	s0 =	rddreg [dreg:$0x0];
	s2 =	stileid.u32  }
0x124: {  	s1 =	rddreg [dreg:$0x1];
	p0 =	sne.s32 s2, $0x0  }
0x125: {  	s3 =	rddreg [dreg:$0x2];
	[bflag:$0x3] =	sbarrier.arrive $0xFFFF;
	s2 =	simm.s32 @!p0 $0x1C05  }
0x126: {  	[timem:s3], [sflag:s2] =	dma.local @!p0 [hbm:s0], s1  }
0x127: {  	s0 =	simm.s32 @!p0 $0x5  }
0x128: {  	_ =	swait.ge @!p0 [sflag:s0], s1  }
0x129: {  	s1 =	ssub.s32 @!p0 $0x0, s1;
	[sflag:s0] =	ssyncset.done @!p0 $0x0  }
0x12a: {  	[sflag:s0] =	ssyncadd.s32 @!p0 s1  }
0x12b: {  	[bflag:$0x3] =	sbarrier.arrive $0xFFFF  }
0x12c: {  	_ =	shalt  }

</sc_bundles>
